<compile_context>
chip_gen: v7x
topology: tpu7x:2x2x1
jax: 0.10.2.dev20260603
libtpu: 0.0.44.dev20260713+nightly
codegen_flags: <defaults>
</compile_context>

<pallas_src>
import functools

import jax
import jax.numpy as jnp
from jax import lax
from jax.experimental import pallas as pl
from jax.experimental.pallas import tpu as pltpu
from jax.experimental.pallas import tpu_sc as plsc

N = 1_000_000
D = 64
B = 98304
TWOB = 2 * B
NLAYER = 5

NC = 2
NS = 16
NW = NC * NS
PER_W = TWOB // NW
CHUNK = 128
NCHUNK = PER_W // CHUNK

BLK = 4096
NBLK = B // BLK


def _sc_gather_fn():
    mesh = plsc.VectorSubcoreMesh(core_axis_name="c", subcore_axis_name="s")

    @functools.partial(
        pl.kernel,
        out_type=jax.ShapeDtypeStruct((TWOB, D), jnp.float32),
        mesh=mesh,
        compiler_params=pltpu.CompilerParams(use_tc_tiling_on_sc=False),
        scratch_types=[
            pltpu.VMEM((NCHUNK, CHUNK), jnp.int32),
            pltpu.VMEM((CHUNK, D), jnp.float32),
            pltpu.VMEM((CHUNK, D), jnp.float32),
            pltpu.VMEM((CHUNK, D), jnp.float32),
            pltpu.VMEM((CHUNK, D), jnp.float32),
            pltpu.SemaphoreType.DMA,
            pltpu.SemaphoreType.DMA,
            pltpu.SemaphoreType.DMA,
            pltpu.SemaphoreType.DMA,
        ],
    )
    def sc_gather(u_hbm, table_hbm, out_hbm, idx_v,
                  rows_a, rows_b, rows_c, rows_d,
                  sem_a, sem_b, sem_c, sem_d):
        wid = lax.axis_index("s") * NC + lax.axis_index("c")
        rowbase = wid * PER_W
        pltpu.sync_copy(u_hbm.at[pl.ds(wid * NCHUNK, NCHUNK)], idx_v)

        bufs = (rows_a, rows_b, rows_c, rows_d)
        sems = (sem_a, sem_b, sem_c, sem_d)

        def gstart(c, b):
            return pltpu.async_copy(table_hbm.at[idx_v.at[c]], bufs[b], sems[b])

        for b in range(4):
            gstart(b, b)

        def step(i, _):
            c0 = 4 * i
            for b in range(4):
                c = c0 + b
                pltpu.make_async_copy(
                    table_hbm.at[idx_v.at[c]], bufs[b], sems[b]).wait()
                pltpu.sync_copy(
                    bufs[b], out_hbm.at[pl.ds(rowbase + c * CHUNK, CHUNK)])

                @pl.when(c + 4 < NCHUNK)
                def _(c=c, b=b):
                    gstart(c + 4, b)

            return 0

        lax.fori_loop(0, NCHUNK // 4, step, 0)

    return sc_gather


def _tc_loss_body(g_ref, lab_ref, lay_ref, w_ref, lt_ref, q_ref, acc_ref):
    blk = g_ref[...]
    ei = blk[:, :D]
    ej = blk[:, D:]
    x = jnp.dot(ei, w_ref[...], preferred_element_type=jnp.float32)
    y = jnp.dot(ej, w_ref[...], preferred_element_type=jnp.float32)
    rxy = jnp.sum(x * y, axis=1, keepdims=True)
    s1 = jnp.dot(x + y, lt_ref[...], preferred_element_type=jnp.float32)
    lay = lay_ref[...]
    onehot = (lay == lax.broadcasted_iota(jnp.int32, (BLK, 8), 1)).astype(jnp.float32)
    inner = rxy + jnp.sum(onehot * (s1 + q_ref[...]), axis=1, keepdims=True)
    t = lab_ref[...] * inner
    part = jnp.sum(jax.nn.log_sigmoid(t))

    @pl.when(pl.program_id(0) == 0)
    def _():
        acc_ref[0, 0] = 0.0

    acc_ref[0, 0] += -part


def kernel(u_i, u_j, this_layer, label, embedding, L_embedding, W):
    m = lax.iota(jnp.int32, TWOB)
    u_all = jnp.where(
        m % 2 == 0,
        jnp.repeat(u_i.astype(jnp.int32), 2),
        jnp.repeat(u_j.astype(jnp.int32), 2),
    ).reshape(TWOB // CHUNK, CHUNK)

    gathered = _sc_gather_fn()(u_all, embedding)
    g2 = gathered.reshape(B, 2 * D)

    lab = label.astype(jnp.float32).reshape(B, 1)
    lay = this_layer.astype(jnp.int32).reshape(B, 1)
    lt = jnp.zeros((D, 8), jnp.float32).at[:, :NLAYER].set(L_embedding.T)
    q = jnp.zeros((1, 8), jnp.float32).at[0, :NLAYER].set(
        jnp.sum(L_embedding * L_embedding, axis=1))

    loss = pl.pallas_call(
        _tc_loss_body,
        grid=(NBLK,),
        in_specs=[
            pl.BlockSpec((BLK, 2 * D), lambda i: (i, 0)),
            pl.BlockSpec((BLK, 1), lambda i: (i, 0)),
            pl.BlockSpec((BLK, 1), lambda i: (i, 0)),
            pl.BlockSpec((D, D), lambda i: (0, 0)),
            pl.BlockSpec((D, 8), lambda i: (0, 0)),
            pl.BlockSpec((1, 8), lambda i: (0, 0)),
        ],
        out_specs=pl.BlockSpec(memory_space=pltpu.SMEM),
        out_shape=jax.ShapeDtypeStruct((1, 1), jnp.float32),
    )(g2, lab, lay, W, lt, q)
    return loss[0, 0]

# --- scband reference (transcript-rebuilt; emitter-appended) ---
"""Pipeline reference for scband-multi-network-emb-70669391888900 (READ-ONLY COPY).

The authoritative reference and input builder live on the scoring server;
editing this copy changes nothing except your own understanding.
"""

import jax, jax.numpy as jnp
import numpy as np


def _l2_normalize(x):
    return x / jnp.linalg.norm(x, axis=1, keepdims=True)


def setup_inputs(seed: int = 0) -> dict:
    key = jax.random.key(seed)
    k1, k2, k3, k4, k5, k6, k7 = jax.random.split(key, 7)
    N = 1000000   # num_of_nodes
    D = 64        # node_emb_dims
    L = 4         # num_layer
    DL = 64       # layer_emb_dims
    B = 98304     # batch_size * (K+1) = 16384 * 6
    embedding = _l2_normalize(0.3 * jax.random.truncated_normal(k1, -2.0, 2.0, (N, D), dtype=jnp.float32))
    L_embedding = _l2_normalize(0.3 * jax.random.truncated_normal(k2, -2.0, 2.0, (L + 1, DL), dtype=jnp.float32))
    W = _l2_normalize(0.3 * jax.random.truncated_normal(k3, -2.0, 2.0, (D, DL), dtype=jnp.float32))
    u_i = jax.random.randint(k4, (B,), 0, N)
    u_j = jax.random.randint(k5, (B,), 0, N)
    this_layer = jax.random.randint(k6, (B,), 0, L + 1)
    label = jax.random.normal(k7, (B,), dtype=jnp.float32)
    return {"u_i": u_i, "u_j": u_j, "this_layer": this_layer, "label": label,
            "embedding": embedding, "L_embedding": L_embedding, "W": W}


def reference(u_i, u_j, this_layer, label, embedding, L_embedding, W):
    u_i_embedding = jnp.take(embedding, u_i, axis=0)
    u_j_embedding = jnp.take(embedding, u_j, axis=0)
    u_i_embedding = jnp.matmul(u_i_embedding, W)
    u_j_embedding = jnp.matmul(u_j_embedding, W)
    l_i_embedding = jnp.take(L_embedding, this_layer, axis=0)
    r_i = u_i_embedding + l_i_embedding
    r_j = u_j_embedding + l_i_embedding
    inner_product = jnp.sum(r_i * r_j, axis=1)
    loss = -jnp.sum(jax.nn.log_sigmoid(label * inner_product))
    return loss

if __name__ == "__main__":
    import jax
    _d = setup_inputs()
    print(jax.jit(kernel)(*tuple(_d.values())))

</pallas_src>

<mosaic_0001>
#map = affine_map<(d0, d1) -> (0, 0)>
module attributes {stable_mosaic.version = 14 : i64} {
  func.func @sc_gather(%arg0: i32, %arg1: i32, %arg2: memref<1536x128xi32, #tpu.memory_space<hbm>>, %arg3: memref<1000000x64xf32, #tpu.memory_space<hbm>>, %arg4: memref<196608x64xf32, #tpu.memory_space<hbm>>, %arg5: memref<48x128xi32, #tpu.memory_space<vmem>>, %arg6: memref<128x64xf32, #tpu.memory_space<vmem>>, %arg7: memref<128x64xf32, #tpu.memory_space<vmem>>, %arg8: memref<128x64xf32, #tpu.memory_space<vmem>>, %arg9: memref<128x64xf32, #tpu.memory_space<vmem>>, %arg10: memref<!tpu.dma_semaphore, #tpu.memory_space<semaphore_mem>>, %arg11: memref<!tpu.dma_semaphore, #tpu.memory_space<semaphore_mem>>, %arg12: memref<!tpu.dma_semaphore, #tpu.memory_space<semaphore_mem>>, %arg13: memref<!tpu.dma_semaphore, #tpu.memory_space<semaphore_mem>>) attributes {dimension_semantics = [#tpu.dimension_semantics<core_parallel>, #tpu.dimension_semantics<subcore_parallel>], iteration_bounds = array<i64: 2, 16>, scalar_prefetch = 0 : i64, scratch_operands = 9 : i64, tpu.core_type = #tpu.core_type<sc_vector_subcore>, window_params = [{transform_indices = #map}, {transform_indices = #map}, {transform_indices = #map}]} {
    %mul3A = arith.constant 2 : i32
    %mul3A_0 = arith.muli %arg1, %mul3A : i32
    %add3A = arith.addi %mul3A_0, %arg0 : i32
    %mul3A_1 = arith.constant 6144 : i32
    %mul3A_2 = arith.muli %add3A, %mul3A_1 : i32
    %mul3A_3 = arith.constant 48 : i32
    %mul3A_4 = arith.muli %add3A, %mul3A_3 : i32
    "tpu.region"() ({
      %run_scoped3A = tpu.sem_alloc : memref<!tpu.dma_semaphore, #tpu.memory_space<semaphore_mem>>
      %dma_start3A_38 = arith.constant 0 : i32
      %dma_start3A_39 = tpu.memref_slice %arg2[%mul3A_4, %dma_start3A_38] : memref<1536x128xi32, #tpu.memory_space<hbm>> -> memref<48x128xi32, #tpu.memory_space<hbm>>
      %dma_start3A_40 = arith.constant 0 : i32
      %dma_start3A_41 = tpu.memref_slice %arg2[%mul3A_4, %dma_start3A_40] : memref<1536x128xi32, #tpu.memory_space<hbm>> -> memref<48x128xi32, #tpu.memory_space<hbm>>
      tpu.enqueue_dma source(%dma_start3A_41 : memref<48x128xi32, #tpu.memory_space<hbm>>) target(%arg5 : memref<48x128xi32, #tpu.memory_space<vmem>>) target_semaphore(%run_scoped3A : memref<!tpu.dma_semaphore, #tpu.memory_space<semaphore_mem>>)
      %dma_wait3A = arith.constant 0 : i32
      %dma_wait3A_42 = tpu.memref_slice %arg2[%mul3A_4, %dma_wait3A] : memref<1536x128xi32, #tpu.memory_space<hbm>> -> memref<48x128xi32, #tpu.memory_space<hbm>>
      %dma_wait3A_43 = arith.constant 0 : i32
      %dma_wait3A_44 = tpu.memref_slice %arg2[%mul3A_4, %dma_wait3A_43] : memref<1536x128xi32, #tpu.memory_space<hbm>> -> memref<48x128xi32, #tpu.memory_space<hbm>>
      tpu.wait_dma2 semaphore(%run_scoped3A : memref<!tpu.dma_semaphore, #tpu.memory_space<semaphore_mem>>) src(%dma_wait3A_44 : memref<48x128xi32, #tpu.memory_space<hbm>>) dst(%arg5 : memref<48x128xi32, #tpu.memory_space<vmem>>)
      tpu.yield
    }) : () -> ()
    %dma_start3A = arith.constant 0 : i32
    %dma_start3A_5 = arith.constant 0 : i32
    %dma_start3A_6 = tpu.memref_slice %arg5[%dma_start3A, %dma_start3A_5] : memref<48x128xi32, #tpu.memory_space<vmem>> -> memref<1x128xi32, #tpu.memory_space<vmem>>
    %dma_start3A_7 = tpu.memref_squeeze %dma_start3A_6 : memref<1x128xi32, #tpu.memory_space<vmem>> -> memref<128xi32, #tpu.memory_space<vmem>>
    %dma_start3A_8 = arith.constant 0 : i32
    %dma_start3A_9 = arith.constant 0 : i32
    %dma_start3A_10 = tpu.memref_slice %arg3[%dma_start3A_8, %dma_start3A_9] : memref<1000000x64xf32, #tpu.memory_space<hbm>> -> memref<1000000x64xf32, #tpu.memory_space<hbm>>
    tpu.enqueue_indirect_dma source(%dma_start3A_10 : memref<1000000x64xf32, #tpu.memory_space<hbm>>) target(%arg6 : memref<128x64xf32, #tpu.memory_space<vmem>>) offsets(%dma_start3A_7 : memref<128xi32, #tpu.memory_space<vmem>>) semaphore(%arg10 : memref<!tpu.dma_semaphore, #tpu.memory_space<semaphore_mem>>)
    %dma_start3A_11 = arith.constant 1 : i32
    %dma_start3A_12 = arith.constant 0 : i32
    %dma_start3A_13 = tpu.memref_slice %arg5[%dma_start3A_11, %dma_start3A_12] : memref<48x128xi32, #tpu.memory_space<vmem>> -> memref<1x128xi32, #tpu.memory_space<vmem>>
    %dma_start3A_14 = tpu.memref_squeeze %dma_start3A_13 : memref<1x128xi32, #tpu.memory_space<vmem>> -> memref<128xi32, #tpu.memory_space<vmem>>
    %dma_start3A_15 = arith.constant 0 : i32
    %dma_start3A_16 = arith.constant 0 : i32
    %dma_start3A_17 = tpu.memref_slice %arg3[%dma_start3A_15, %dma_start3A_16] : memref<1000000x64xf32, #tpu.memory_space<hbm>> -> memref<1000000x64xf32, #tpu.memory_space<hbm>>
    tpu.enqueue_indirect_dma source(%dma_start3A_17 : memref<1000000x64xf32, #tpu.memory_space<hbm>>) target(%arg7 : memref<128x64xf32, #tpu.memory_space<vmem>>) offsets(%dma_start3A_14 : memref<128xi32, #tpu.memory_space<vmem>>) semaphore(%arg11 : memref<!tpu.dma_semaphore, #tpu.memory_space<semaphore_mem>>)
    %dma_start3A_18 = arith.constant 2 : i32
    %dma_start3A_19 = arith.constant 0 : i32
    %dma_start3A_20 = tpu.memref_slice %arg5[%dma_start3A_18, %dma_start3A_19] : memref<48x128xi32, #tpu.memory_space<vmem>> -> memref<1x128xi32, #tpu.memory_space<vmem>>
    %dma_start3A_21 = tpu.memref_squeeze %dma_start3A_20 : memref<1x128xi32, #tpu.memory_space<vmem>> -> memref<128xi32, #tpu.memory_space<vmem>>
    %dma_start3A_22 = arith.constant 0 : i32
    %dma_start3A_23 = arith.constant 0 : i32
    %dma_start3A_24 = tpu.memref_slice %arg3[%dma_start3A_22, %dma_start3A_23] : memref<1000000x64xf32, #tpu.memory_space<hbm>> -> memref<1000000x64xf32, #tpu.memory_space<hbm>>
    tpu.enqueue_indirect_dma source(%dma_start3A_24 : memref<1000000x64xf32, #tpu.memory_space<hbm>>) target(%arg8 : memref<128x64xf32, #tpu.memory_space<vmem>>) offsets(%dma_start3A_21 : memref<128xi32, #tpu.memory_space<vmem>>) semaphore(%arg12 : memref<!tpu.dma_semaphore, #tpu.memory_space<semaphore_mem>>)
    %dma_start3A_25 = arith.constant 3 : i32
    %dma_start3A_26 = arith.constant 0 : i32
    %dma_start3A_27 = tpu.memref_slice %arg5[%dma_start3A_25, %dma_start3A_26] : memref<48x128xi32, #tpu.memory_space<vmem>> -> memref<1x128xi32, #tpu.memory_space<vmem>>
    %dma_start3A_28 = tpu.memref_squeeze %dma_start3A_27 : memref<1x128xi32, #tpu.memory_space<vmem>> -> memref<128xi32, #tpu.memory_space<vmem>>
    %dma_start3A_29 = arith.constant 0 : i32
    %dma_start3A_30 = arith.constant 0 : i32
    %dma_start3A_31 = tpu.memref_slice %arg3[%dma_start3A_29, %dma_start3A_30] : memref<1000000x64xf32, #tpu.memory_space<hbm>> -> memref<1000000x64xf32, #tpu.memory_space<hbm>>
    tpu.enqueue_indirect_dma source(%dma_start3A_31 : memref<1000000x64xf32, #tpu.memory_space<hbm>>) target(%arg9 : memref<128x64xf32, #tpu.memory_space<vmem>>) offsets(%dma_start3A_28 : memref<128xi32, #tpu.memory_space<vmem>>) semaphore(%arg13 : memref<!tpu.dma_semaphore, #tpu.memory_space<semaphore_mem>>)
    %scan3A = arith.constant 0 : i32
    %scan3A_32 = arith.constant 0 : i32
    %scan3A_33 = arith.constant 12 : i32
    %scan3A_34 = arith.addi %scan3A_32, %scan3A_33 : i32
    %scan3A_35 = arith.constant 1 : i32
    %scan3A_36 = scf.for %scan3A_38 = %scan3A_32 to %scan3A_34 step %scan3A_35 iter_args(%scan3A_39 = %scan3A) -> (i32)  : i32 {
      %mul3A_40 = arith.constant 4 : i32
      %mul3A_41 = arith.muli %mul3A_40, %scan3A_38 : i32
      %add3A_42 = arith.constant 0 : i32
      %add3A_43 = arith.addi %mul3A_41, %add3A_42 : i32
      %dma_wait3A = arith.constant 0 : i32
      %dma_wait3A_44 = tpu.memref_slice %arg5[%add3A_43, %dma_wait3A] : memref<48x128xi32, #tpu.memory_space<vmem>> -> memref<1x128xi32, #tpu.memory_space<vmem>>
      %dma_wait3A_45 = tpu.memref_squeeze %dma_wait3A_44 : memref<1x128xi32, #tpu.memory_space<vmem>> -> memref<128xi32, #tpu.memory_space<vmem>>
      %dma_wait3A_46 = arith.constant 0 : i32
      %dma_wait3A_47 = arith.constant 0 : i32
      %dma_wait3A_48 = tpu.memref_slice %arg3[%dma_wait3A_46, %dma_wait3A_47] : memref<1000000x64xf32, #tpu.memory_space<hbm>> -> memref<1000000x64xf32, #tpu.memory_space<hbm>>
      tpu.wait_indirect_dma semaphore(%arg10 : memref<!tpu.dma_semaphore, #tpu.memory_space<semaphore_mem>>) src(%dma_wait3A_48 : memref<1000000x64xf32, #tpu.memory_space<hbm>>) dst(%arg6 : memref<128x64xf32, #tpu.memory_space<vmem>>)
      %mul3A_49 = arith.constant 128 : i32
      %mul3A_50 = arith.muli %add3A_43, %mul3A_49 : i32
      %add3A_51 = arith.addi %mul3A_2, %mul3A_50 : i32
      "tpu.region"() ({
        %run_scoped3A = tpu.sem_alloc : memref<!tpu.dma_semaphore, #tpu.memory_space<semaphore_mem>>
        %dma_start3A_111 = arith.constant 0 : i32
        %dma_start3A_112 = tpu.memref_slice %arg4[%add3A_51, %dma_start3A_111] : memref<196608x64xf32, #tpu.memory_space<hbm>> -> memref<128x64xf32, #tpu.memory_space<hbm>>
        %dma_start3A_113 = arith.constant 0 : i32
        %dma_start3A_114 = tpu.memref_slice %arg4[%add3A_51, %dma_start3A_113] : memref<196608x64xf32, #tpu.memory_space<hbm>> -> memref<128x64xf32, #tpu.memory_space<hbm>>
        tpu.enqueue_dma source(%arg6 : memref<128x64xf32, #tpu.memory_space<vmem>>) target(%dma_start3A_114 : memref<128x64xf32, #tpu.memory_space<hbm>>) target_semaphore(%run_scoped3A : memref<!tpu.dma_semaphore, #tpu.memory_space<semaphore_mem>>)
        %dma_wait3A_115 = arith.constant 0 : i32
        %dma_wait3A_116 = tpu.memref_slice %arg4[%add3A_51, %dma_wait3A_115] : memref<196608x64xf32, #tpu.memory_space<hbm>> -> memref<128x64xf32, #tpu.memory_space<hbm>>
        %dma_wait3A_117 = arith.constant 0 : i32
        %dma_wait3A_118 = tpu.memref_slice %arg4[%add3A_51, %dma_wait3A_117] : memref<196608x64xf32, #tpu.memory_space<hbm>> -> memref<128x64xf32, #tpu.memory_space<hbm>>
        tpu.wait_dma2 semaphore(%run_scoped3A : memref<!tpu.dma_semaphore, #tpu.memory_space<semaphore_mem>>) src(%arg6 : memref<128x64xf32, #tpu.memory_space<vmem>>) dst(%dma_wait3A_118 : memref<128x64xf32, #tpu.memory_space<hbm>>)
        tpu.yield
      }) : () -> ()
      %add3A_52 = arith.constant 4 : i32
      %add3A_53 = arith.addi %add3A_43, %add3A_52 : i32
      %lt3A = arith.constant 48 : i32
      %lt3A_54 = arith.cmpi slt, %add3A_53, %lt3A : i32
      %convert_element_type3A = arith.extui %lt3A_54 : i1 to i32
      %cond3A = arith.constant 0 : i32
      %cond3A_55 = arith.cmpi ne, %convert_element_type3A, %cond3A : i32
      scf.if %cond3A_55 {
        %add3A_111 = arith.constant 4 : i32
        %add3A_112 = arith.addi %add3A_43, %add3A_111 : i32
        %dma_start3A_113 = arith.constant 0 : i32
        %dma_start3A_114 = tpu.memref_slice %arg5[%add3A_112, %dma_start3A_113] : memref<48x128xi32, #tpu.memory_space<vmem>> -> memref<1x128xi32, #tpu.memory_space<vmem>>
        %dma_start3A_115 = tpu.memref_squeeze %dma_start3A_114 : memref<1x128xi32, #tpu.memory_space<vmem>> -> memref<128xi32, #tpu.memory_space<vmem>>
        %dma_start3A_116 = arith.constant 0 : i32
        %dma_start3A_117 = arith.constant 0 : i32
        %dma_start3A_118 = tpu.memref_slice %arg3[%dma_start3A_116, %dma_start3A_117] : memref<1000000x64xf32, #tpu.memory_space<hbm>> -> memref<1000000x64xf32, #tpu.memory_space<hbm>>
        tpu.enqueue_indirect_dma source(%dma_start3A_118 : memref<1000000x64xf32, #tpu.memory_space<hbm>>) target(%arg6 : memref<128x64xf32, #tpu.memory_space<vmem>>) offsets(%dma_start3A_115 : memref<128xi32, #tpu.memory_space<vmem>>) semaphore(%arg10 : memref<!tpu.dma_semaphore, #tpu.memory_space<semaphore_mem>>)
      } else {
      }
      %add3A_56 = arith.constant 1 : i32
      %add3A_57 = arith.addi %mul3A_41, %add3A_56 : i32
      %dma_wait3A_58 = arith.constant 0 : i32
      %dma_wait3A_59 = tpu.memref_slice %arg5[%add3A_57, %dma_wait3A_58] : memref<48x128xi32, #tpu.memory_space<vmem>> -> memref<1x128xi32, #tpu.memory_space<vmem>>
      %dma_wait3A_60 = tpu.memref_squeeze %dma_wait3A_59 : memref<1x128xi32, #tpu.memory_space<vmem>> -> memref<128xi32, #tpu.memory_space<vmem>>
      %dma_wait3A_61 = arith.constant 0 : i32
      %dma_wait3A_62 = arith.constant 0 : i32
      %dma_wait3A_63 = tpu.memref_slice %arg3[%dma_wait3A_61, %dma_wait3A_62] : memref<1000000x64xf32, #tpu.memory_space<hbm>> -> memref<1000000x64xf32, #tpu.memory_space<hbm>>
      tpu.wait_indirect_dma semaphore(%arg11 : memref<!tpu.dma_semaphore, #tpu.memory_space<semaphore_mem>>) src(%dma_wait3A_63 : memref<1000000x64xf32, #tpu.memory_space<hbm>>) dst(%arg7 : memref<128x64xf32, #tpu.memory_space<vmem>>)
      %mul3A_64 = arith.constant 128 : i32
      %mul3A_65 = arith.muli %add3A_57, %mul3A_64 : i32
      %add3A_66 = arith.addi %mul3A_2, %mul3A_65 : i32
      "tpu.region"() ({
        %run_scoped3A = tpu.sem_alloc : memref<!tpu.dma_semaphore, #tpu.memory_space<semaphore_mem>>
        %dma_start3A_111 = arith.constant 0 : i32
        %dma_start3A_112 = tpu.memref_slice %arg4[%add3A_66, %dma_start3A_111] : memref<196608x64xf32, #tpu.memory_space<hbm>> -> memref<128x64xf32, #tpu.memory_space<hbm>>
        %dma_start3A_113 = arith.constant 0 : i32
        %dma_start3A_114 = tpu.memref_slice %arg4[%add3A_66, %dma_start3A_113] : memref<196608x64xf32, #tpu.memory_space<hbm>> -> memref<128x64xf32, #tpu.memory_space<hbm>>
        tpu.enqueue_dma source(%arg7 : memref<128x64xf32, #tpu.memory_space<vmem>>) target(%dma_start3A_114 : memref<128x64xf32, #tpu.memory_space<hbm>>) target_semaphore(%run_scoped3A : memref<!tpu.dma_semaphore, #tpu.memory_space<semaphore_mem>>)
        %dma_wait3A_115 = arith.constant 0 : i32
        %dma_wait3A_116 = tpu.memref_slice %arg4[%add3A_66, %dma_wait3A_115] : memref<196608x64xf32, #tpu.memory_space<hbm>> -> memref<128x64xf32, #tpu.memory_space<hbm>>
        %dma_wait3A_117 = arith.constant 0 : i32
        %dma_wait3A_118 = tpu.memref_slice %arg4[%add3A_66, %dma_wait3A_117] : memref<196608x64xf32, #tpu.memory_space<hbm>> -> memref<128x64xf32, #tpu.memory_space<hbm>>
        tpu.wait_dma2 semaphore(%run_scoped3A : memref<!tpu.dma_semaphore, #tpu.memory_space<semaphore_mem>>) src(%arg7 : memref<128x64xf32, #tpu.memory_space<vmem>>) dst(%dma_wait3A_118 : memref<128x64xf32, #tpu.memory_space<hbm>>)
        tpu.yield
      }) : () -> ()
      %add3A_67 = arith.constant 4 : i32
      %add3A_68 = arith.addi %add3A_57, %add3A_67 : i32
      %lt3A_69 = arith.constant 48 : i32
      %lt3A_70 = arith.cmpi slt, %add3A_68, %lt3A_69 : i32
      %convert_element_type3A_71 = arith.extui %lt3A_70 : i1 to i32
      %cond3A_72 = arith.constant 0 : i32
      %cond3A_73 = arith.cmpi ne, %convert_element_type3A_71, %cond3A_72 : i32
      scf.if %cond3A_73 {
        %add3A_111 = arith.constant 4 : i32
        %add3A_112 = arith.addi %add3A_57, %add3A_111 : i32
        %dma_start3A_113 = arith.constant 0 : i32
        %dma_start3A_114 = tpu.memref_slice %arg5[%add3A_112, %dma_start3A_113] : memref<48x128xi32, #tpu.memory_space<vmem>> -> memref<1x128xi32, #tpu.memory_space<vmem>>
        %dma_start3A_115 = tpu.memref_squeeze %dma_start3A_114 : memref<1x128xi32, #tpu.memory_space<vmem>> -> memref<128xi32, #tpu.memory_space<vmem>>
        %dma_start3A_116 = arith.constant 0 : i32
        %dma_start3A_117 = arith.constant 0 : i32
        %dma_start3A_118 = tpu.memref_slice %arg3[%dma_start3A_116, %dma_start3A_117] : memref<1000000x64xf32, #tpu.memory_space<hbm>> -> memref<1000000x64xf32, #tpu.memory_space<hbm>>
        tpu.enqueue_indirect_dma source(%dma_start3A_118 : memref<1000000x64xf32, #tpu.memory_space<hbm>>) target(%arg7 : memref<128x64xf32, #tpu.memory_space<vmem>>) offsets(%dma_start3A_115 : memref<128xi32, #tpu.memory_space<vmem>>) semaphore(%arg11 : memref<!tpu.dma_semaphore, #tpu.memory_space<semaphore_mem>>)
      } else {
      }
      %add3A_74 = arith.constant 2 : i32
      %add3A_75 = arith.addi %mul3A_41, %add3A_74 : i32
      %dma_wait3A_76 = arith.constant 0 : i32
      %dma_wait3A_77 = tpu.memref_slice %arg5[%add3A_75, %dma_wait3A_76] : memref<48x128xi32, #tpu.memory_space<vmem>> -> memref<1x128xi32, #tpu.memory_space<vmem>>
      %dma_wait3A_78 = tpu.memref_squeeze %dma_wait3A_77 : memref<1x128xi32, #tpu.memory_space<vmem>> -> memref<128xi32, #tpu.memory_space<vmem>>
      %dma_wait3A_79 = arith.constant 0 : i32
      %dma_wait3A_80 = arith.constant 0 : i32
      %dma_wait3A_81 = tpu.memref_slice %arg3[%dma_wait3A_79, %dma_wait3A_80] : memref<1000000x64xf32, #tpu.memory_space<hbm>> -> memref<1000000x64xf32, #tpu.memory_space<hbm>>
      tpu.wait_indirect_dma semaphore(%arg12 : memref<!tpu.dma_semaphore, #tpu.memory_space<semaphore_mem>>) src(%dma_wait3A_81 : memref<1000000x64xf32, #tpu.memory_space<hbm>>) dst(%arg8 : memref<128x64xf32, #tpu.memory_space<vmem>>)
      %mul3A_82 = arith.constant 128 : i32
      %mul3A_83 = arith.muli %add3A_75, %mul3A_82 : i32
      %add3A_84 = arith.addi %mul3A_2, %mul3A_83 : i32
      "tpu.region"() ({
        %run_scoped3A = tpu.sem_alloc : memref<!tpu.dma_semaphore, #tpu.memory_space<semaphore_mem>>
        %dma_start3A_111 = arith.constant 0 : i32
        %dma_start3A_112 = tpu.memref_slice %arg4[%add3A_84, %dma_start3A_111] : memref<196608x64xf32, #tpu.memory_space<hbm>> -> memref<128x64xf32, #tpu.memory_space<hbm>>
        %dma_start3A_113 = arith.constant 0 : i32
        %dma_start3A_114 = tpu.memref_slice %arg4[%add3A_84, %dma_start3A_113] : memref<196608x64xf32, #tpu.memory_space<hbm>> -> memref<128x64xf32, #tpu.memory_space<hbm>>
        tpu.enqueue_dma source(%arg8 : memref<128x64xf32, #tpu.memory_space<vmem>>) target(%dma_start3A_114 : memref<128x64xf32, #tpu.memory_space<hbm>>) target_semaphore(%run_scoped3A : memref<!tpu.dma_semaphore, #tpu.memory_space<semaphore_mem>>)
        %dma_wait3A_115 = arith.constant 0 : i32
        %dma_wait3A_116 = tpu.memref_slice %arg4[%add3A_84, %dma_wait3A_115] : memref<196608x64xf32, #tpu.memory_space<hbm>> -> memref<128x64xf32, #tpu.memory_space<hbm>>
        %dma_wait3A_117 = arith.constant 0 : i32
        %dma_wait3A_118 = tpu.memref_slice %arg4[%add3A_84, %dma_wait3A_117] : memref<196608x64xf32, #tpu.memory_space<hbm>> -> memref<128x64xf32, #tpu.memory_space<hbm>>
        tpu.wait_dma2 semaphore(%run_scoped3A : memref<!tpu.dma_semaphore, #tpu.memory_space<semaphore_mem>>) src(%arg8 : memref<128x64xf32, #tpu.memory_space<vmem>>) dst(%dma_wait3A_118 : memref<128x64xf32, #tpu.memory_space<hbm>>)
        tpu.yield
      }) : () -> ()
      %add3A_85 = arith.constant 4 : i32
      %add3A_86 = arith.addi %add3A_75, %add3A_85 : i32
      %lt3A_87 = arith.constant 48 : i32
      %lt3A_88 = arith.cmpi slt, %add3A_86, %lt3A_87 : i32
      %convert_element_type3A_89 = arith.extui %lt3A_88 : i1 to i32
      %cond3A_90 = arith.constant 0 : i32
      %cond3A_91 = arith.cmpi ne, %convert_element_type3A_89, %cond3A_90 : i32
      scf.if %cond3A_91 {
        %add3A_111 = arith.constant 4 : i32
        %add3A_112 = arith.addi %add3A_75, %add3A_111 : i32
        %dma_start3A_113 = arith.constant 0 : i32
        %dma_start3A_114 = tpu.memref_slice %arg5[%add3A_112, %dma_start3A_113] : memref<48x128xi32, #tpu.memory_space<vmem>> -> memref<1x128xi32, #tpu.memory_space<vmem>>
        %dma_start3A_115 = tpu.memref_squeeze %dma_start3A_114 : memref<1x128xi32, #tpu.memory_space<vmem>> -> memref<128xi32, #tpu.memory_space<vmem>>
        %dma_start3A_116 = arith.constant 0 : i32
        %dma_start3A_117 = arith.constant 0 : i32
        %dma_start3A_118 = tpu.memref_slice %arg3[%dma_start3A_116, %dma_start3A_117] : memref<1000000x64xf32, #tpu.memory_space<hbm>> -> memref<1000000x64xf32, #tpu.memory_space<hbm>>
        tpu.enqueue_indirect_dma source(%dma_start3A_118 : memref<1000000x64xf32, #tpu.memory_space<hbm>>) target(%arg8 : memref<128x64xf32, #tpu.memory_space<vmem>>) offsets(%dma_start3A_115 : memref<128xi32, #tpu.memory_space<vmem>>) semaphore(%arg12 : memref<!tpu.dma_semaphore, #tpu.memory_space<semaphore_mem>>)
      } else {
      }
      %add3A_92 = arith.constant 3 : i32
      %add3A_93 = arith.addi %mul3A_41, %add3A_92 : i32
      %dma_wait3A_94 = arith.constant 0 : i32
      %dma_wait3A_95 = tpu.memref_slice %arg5[%add3A_93, %dma_wait3A_94] : memref<48x128xi32, #tpu.memory_space<vmem>> -> memref<1x128xi32, #tpu.memory_space<vmem>>
      %dma_wait3A_96 = tpu.memref_squeeze %dma_wait3A_95 : memref<1x128xi32, #tpu.memory_space<vmem>> -> memref<128xi32, #tpu.memory_space<vmem>>
      %dma_wait3A_97 = arith.constant 0 : i32
      %dma_wait3A_98 = arith.constant 0 : i32
      %dma_wait3A_99 = tpu.memref_slice %arg3[%dma_wait3A_97, %dma_wait3A_98] : memref<1000000x64xf32, #tpu.memory_space<hbm>> -> memref<1000000x64xf32, #tpu.memory_space<hbm>>
      tpu.wait_indirect_dma semaphore(%arg13 : memref<!tpu.dma_semaphore, #tpu.memory_space<semaphore_mem>>) src(%dma_wait3A_99 : memref<1000000x64xf32, #tpu.memory_space<hbm>>) dst(%arg9 : memref<128x64xf32, #tpu.memory_space<vmem>>)
      %mul3A_100 = arith.constant 128 : i32
      %mul3A_101 = arith.muli %add3A_93, %mul3A_100 : i32
      %add3A_102 = arith.addi %mul3A_2, %mul3A_101 : i32
      "tpu.region"() ({
        %run_scoped3A = tpu.sem_alloc : memref<!tpu.dma_semaphore, #tpu.memory_space<semaphore_mem>>
        %dma_start3A_111 = arith.constant 0 : i32
        %dma_start3A_112 = tpu.memref_slice %arg4[%add3A_102, %dma_start3A_111] : memref<196608x64xf32, #tpu.memory_space<hbm>> -> memref<128x64xf32, #tpu.memory_space<hbm>>
        %dma_start3A_113 = arith.constant 0 : i32
        %dma_start3A_114 = tpu.memref_slice %arg4[%add3A_102, %dma_start3A_113] : memref<196608x64xf32, #tpu.memory_space<hbm>> -> memref<128x64xf32, #tpu.memory_space<hbm>>
        tpu.enqueue_dma source(%arg9 : memref<128x64xf32, #tpu.memory_space<vmem>>) target(%dma_start3A_114 : memref<128x64xf32, #tpu.memory_space<hbm>>) target_semaphore(%run_scoped3A : memref<!tpu.dma_semaphore, #tpu.memory_space<semaphore_mem>>)
        %dma_wait3A_115 = arith.constant 0 : i32
        %dma_wait3A_116 = tpu.memref_slice %arg4[%add3A_102, %dma_wait3A_115] : memref<196608x64xf32, #tpu.memory_space<hbm>> -> memref<128x64xf32, #tpu.memory_space<hbm>>
        %dma_wait3A_117 = arith.constant 0 : i32
        %dma_wait3A_118 = tpu.memref_slice %arg4[%add3A_102, %dma_wait3A_117] : memref<196608x64xf32, #tpu.memory_space<hbm>> -> memref<128x64xf32, #tpu.memory_space<hbm>>
        tpu.wait_dma2 semaphore(%run_scoped3A : memref<!tpu.dma_semaphore, #tpu.memory_space<semaphore_mem>>) src(%arg9 : memref<128x64xf32, #tpu.memory_space<vmem>>) dst(%dma_wait3A_118 : memref<128x64xf32, #tpu.memory_space<hbm>>)
        tpu.yield
      }) : () -> ()
      %add3A_103 = arith.constant 4 : i32
      %add3A_104 = arith.addi %add3A_93, %add3A_103 : i32
      %lt3A_105 = arith.constant 48 : i32
      %lt3A_106 = arith.cmpi slt, %add3A_104, %lt3A_105 : i32
      %convert_element_type3A_107 = arith.extui %lt3A_106 : i1 to i32
      %cond3A_108 = arith.constant 0 : i32
      %cond3A_109 = arith.cmpi ne, %convert_element_type3A_107, %cond3A_108 : i32
      scf.if %cond3A_109 {
        %add3A_111 = arith.constant 4 : i32
        %add3A_112 = arith.addi %add3A_93, %add3A_111 : i32
        %dma_start3A_113 = arith.constant 0 : i32
        %dma_start3A_114 = tpu.memref_slice %arg5[%add3A_112, %dma_start3A_113] : memref<48x128xi32, #tpu.memory_space<vmem>> -> memref<1x128xi32, #tpu.memory_space<vmem>>
        %dma_start3A_115 = tpu.memref_squeeze %dma_start3A_114 : memref<1x128xi32, #tpu.memory_space<vmem>> -> memref<128xi32, #tpu.memory_space<vmem>>
        %dma_start3A_116 = arith.constant 0 : i32
        %dma_start3A_117 = arith.constant 0 : i32
        %dma_start3A_118 = tpu.memref_slice %arg3[%dma_start3A_116, %dma_start3A_117] : memref<1000000x64xf32, #tpu.memory_space<hbm>> -> memref<1000000x64xf32, #tpu.memory_space<hbm>>
        tpu.enqueue_indirect_dma source(%dma_start3A_118 : memref<1000000x64xf32, #tpu.memory_space<hbm>>) target(%arg9 : memref<128x64xf32, #tpu.memory_space<vmem>>) offsets(%dma_start3A_115 : memref<128xi32, #tpu.memory_space<vmem>>) semaphore(%arg13 : memref<!tpu.dma_semaphore, #tpu.memory_space<semaphore_mem>>)
      } else {
      }
      %scan3A_110 = arith.constant 0 : i32
      scf.yield %scan3A_110 : i32
    }
    %scan3A_37 = arith.constant 12 : i32
    return
  }
}

module attributes {stable_mosaic.version = 14 : i64} {
  func.func @_tc_loss_body(%arg0: i32, %arg1: memref<4096x128xf32, #tpu.memory_space<vmem>>, %arg2: memref<4096x1xf32, #tpu.memory_space<vmem>>, %arg3: memref<4096x1xi32, #tpu.memory_space<vmem>>, %arg4: memref<64x64xf32, #tpu.memory_space<vmem>>, %arg5: memref<64x8xf32, #tpu.memory_space<vmem>>, %arg6: memref<1x8xf32, #tpu.memory_space<vmem>>, %arg7: memref<1x1xf32, #tpu.memory_space<smem>>) attributes {dimension_semantics = [#tpu.dimension_semantics<arbitrary>], iteration_bounds = array<i64: 24>, scalar_prefetch = 0 : i64, scratch_operands = 0 : i64, tpu.core_type = #tpu.core_type<tc>, window_params = [{transform_indices = @transform_0, window_bounds = array<i64: 4096, 128>}, {transform_indices = @transform_1, window_bounds = array<i64: 4096, 1>}, {transform_indices = @transform_2, window_bounds = array<i64: 4096, 1>}, {pipeline_mode = #tpu.pipeline_mode<synchronous>, transform_indices = @transform_3, window_bounds = array<i64: 64, 64>}, {pipeline_mode = #tpu.pipeline_mode<synchronous>, transform_indices = @transform_4, window_bounds = array<i64: 64, 8>}, {pipeline_mode = #tpu.pipeline_mode<synchronous>, transform_indices = @transform_5, window_bounds = array<i64: 1, 8>}, {transform_indices = @transform_6, window_bounds = array<i64: 1, 1>}]} {
    %get3A = arith.constant 0 : index
    %get3A_0 = arith.constant 0 : index
    %get3A_1 = vector.load %arg1[%get3A, %get3A_0] : memref<4096x128xf32, #tpu.memory_space<vmem>>, vector<4096x128xf32>
    %slice3A = vector.extract_strided_slice %get3A_1 {offsets = [0, 0], sizes = [4096, 64], strides = [1, 1]} : vector<4096x128xf32> to vector<4096x64xf32>
    %slice3A_2 = vector.extract_strided_slice %get3A_1 {offsets = [0, 64], sizes = [4096, 64], strides = [1, 1]} : vector<4096x128xf32> to vector<4096x64xf32>
    %get3A_3 = arith.constant 0 : index
    %get3A_4 = arith.constant 0 : index
    %get3A_5 = vector.load %arg4[%get3A_3, %get3A_4] : memref<64x64xf32, #tpu.memory_space<vmem>>, vector<64x64xf32>
    %dot_general3A = arith.constant dense<0.000000e+00> : vector<4096x64xf32>
    %dot_general3A_6 = tpu.matmul %slice3A, %get3A_5, %dot_general3A {dimension_numbers = #tpu.dot_dimension_numbers<[1], [0], [0], [1], [0, 0, 1, 1], [], []>, transpose_lhs_hint = false} : vector<4096x64xf32>, vector<64x64xf32>, vector<4096x64xf32> -> vector<4096x64xf32>
    %get3A_7 = arith.constant 0 : index
    %get3A_8 = arith.constant 0 : index
    %get3A_9 = vector.load %arg4[%get3A_7, %get3A_8] : memref<64x64xf32, #tpu.memory_space<vmem>>, vector<64x64xf32>
    %dot_general3A_10 = arith.constant dense<0.000000e+00> : vector<4096x64xf32>
    %dot_general3A_11 = tpu.matmul %slice3A_2, %get3A_9, %dot_general3A_10 {dimension_numbers = #tpu.dot_dimension_numbers<[1], [0], [0], [1], [0, 0, 1, 1], [], []>, transpose_lhs_hint = false} : vector<4096x64xf32>, vector<64x64xf32>, vector<4096x64xf32> -> vector<4096x64xf32>
    %mul3A = arith.mulf %dot_general3A_6, %dot_general3A_11 : vector<4096x64xf32>
    %reduce_sum3A = arith.constant dense<0.000000e+00> : vector<4096xf32>
    %reduce_sum3A_12 = vector.multi_reduction <add>, %mul3A, %reduce_sum3A [1] : vector<4096x64xf32> to vector<4096xf32>
    %broadcast_in_dim3A = vector.shape_cast %reduce_sum3A_12 : vector<4096xf32> to vector<4096x1xf32>
    %add3A = arith.addf %dot_general3A_6, %dot_general3A_11 : vector<4096x64xf32>
    %get3A_13 = arith.constant 0 : index
    %get3A_14 = arith.constant 0 : index
    %get3A_15 = vector.load %arg5[%get3A_13, %get3A_14] : memref<64x8xf32, #tpu.memory_space<vmem>>, vector<64x8xf32>
    %dot_general3A_16 = arith.constant dense<0.000000e+00> : vector<4096x8xf32>
    %dot_general3A_17 = tpu.matmul %add3A, %get3A_15, %dot_general3A_16 {dimension_numbers = #tpu.dot_dimension_numbers<[1], [0], [0], [1], [0, 0, 1, 1], [], []>, transpose_lhs_hint = false} : vector<4096x64xf32>, vector<64x8xf32>, vector<4096x8xf32> -> vector<4096x8xf32>
    %get3A_18 = arith.constant 0 : index
    %get3A_19 = arith.constant 0 : index
    %get3A_20 = vector.load %arg3[%get3A_18, %get3A_19] : memref<4096x1xi32, #tpu.memory_space<vmem>>, vector<4096x1xi32>
    %iota3A = tpu.iota {dimensions = array<i32: 1>} : vector<4096x8xi32>
    %eq3A = vector.broadcast %get3A_20 : vector<4096x1xi32> to vector<4096x8xi32>
    %eq3A_21 = arith.cmpi eq, %eq3A, %iota3A : vector<4096x8xi32>
    %convert_element_type3A = arith.extui %eq3A_21 : vector<4096x8xi1> to vector<4096x8xi32>
    %convert_element_type3A_22 = arith.sitofp %convert_element_type3A : vector<4096x8xi32> to vector<4096x8xf32>
    %get3A_23 = arith.constant 0 : index
    %get3A_24 = arith.constant 0 : index
    %get3A_25 = vector.load %arg6[%get3A_23, %get3A_24] : memref<1x8xf32, #tpu.memory_space<vmem>>, vector<1x8xf32>
    %add3A_26 = vector.broadcast %get3A_25 : vector<1x8xf32> to vector<4096x8xf32>
    %add3A_27 = arith.addf %dot_general3A_17, %add3A_26 : vector<4096x8xf32>
    %mul3A_28 = arith.mulf %convert_element_type3A_22, %add3A_27 : vector<4096x8xf32>
    %reduce_sum3A_29 = arith.constant dense<0.000000e+00> : vector<4096xf32>
    %reduce_sum3A_30 = vector.multi_reduction <add>, %mul3A_28, %reduce_sum3A_29 [1] : vector<4096x8xf32> to vector<4096xf32>
    %broadcast_in_dim3A_31 = vector.shape_cast %reduce_sum3A_30 : vector<4096xf32> to vector<4096x1xf32>
    %add3A_32 = arith.addf %broadcast_in_dim3A, %broadcast_in_dim3A_31 : vector<4096x1xf32>
    %get3A_33 = arith.constant 0 : index
    %get3A_34 = arith.constant 0 : index
    %get3A_35 = vector.load %arg2[%get3A_33, %get3A_34] : memref<4096x1xf32, #tpu.memory_space<vmem>>, vector<4096x1xf32>
    %mul3A_36 = arith.mulf %get3A_35, %add3A_32 : vector<4096x1xf32>
    %neg3A = arith.constant 0.000000e+00 : f32
    %neg3A_37 = vector.broadcast %neg3A : f32 to vector<4096x1xf32>
    %neg3A_38 = arith.subf %neg3A_37, %mul3A_36 : vector<4096x1xf32>
    %custom_jvp_call3A = arith.constant 0.000000e+00 : f32
    %max3A = vector.broadcast %custom_jvp_call3A : f32 to vector<4096x1xf32>
    %max3A_39 = arith.maximumf %neg3A_38, %max3A : vector<4096x1xf32>
    %sub3A = vector.broadcast %custom_jvp_call3A : f32 to vector<4096x1xf32>
    %sub3A_40 = arith.subf %neg3A_38, %sub3A : vector<4096x1xf32>
    %ne3A = arith.cmpf one, %sub3A_40, %sub3A_40 : vector<4096x1xf32>
    %add3A_41 = vector.broadcast %custom_jvp_call3A : f32 to vector<4096x1xf32>
    %add3A_42 = arith.addf %neg3A_38, %add3A_41 : vector<4096x1xf32>
    %abs3A = math.absf %sub3A_40 : vector<4096x1xf32>
    %neg3A_43 = arith.constant 0.000000e+00 : f32
    %neg3A_44 = vector.broadcast %neg3A_43 : f32 to vector<4096x1xf32>
    %neg3A_45 = arith.subf %neg3A_44, %abs3A : vector<4096x1xf32>
    %exp3A = math.exp %neg3A_45 : vector<4096x1xf32>
    %log1p3A = math.log1p %exp3A : vector<4096x1xf32>
    %add3A_46 = arith.addf %max3A_39, %log1p3A : vector<4096x1xf32>
    %select_n3A = arith.select %ne3A, %add3A_42, %add3A_46 : vector<4096x1xi1>, vector<4096x1xf32>
    %neg3A_47 = arith.constant 0.000000e+00 : f32
    %neg3A_48 = vector.broadcast %neg3A_47 : f32 to vector<4096x1xf32>
    %neg3A_49 = arith.subf %neg3A_48, %select_n3A : vector<4096x1xf32>
    %reduce_sum3A_50 = vector.shape_cast %neg3A_49 : vector<4096x1xf32> to vector<1x4096x1xf32>
    %reduce_sum3A_51 = arith.constant dense<0.000000e+00> : vector<1xf32>
    %reduce_sum3A_52 = vector.multi_reduction <add>, %reduce_sum3A_50, %reduce_sum3A_51 [1, 2] : vector<1x4096x1xf32> to vector<1xf32>
    %reduce_sum3A_53 = vector.shape_cast %reduce_sum3A_52 : vector<1xf32> to vector<1x1x1xf32>
    %reduce_sum3A_54 = vector.extract %reduce_sum3A_53[0, 0, 0] : f32 from vector<1x1x1xf32>
    %eq3A_55 = arith.constant 0 : i32
    %eq3A_56 = arith.cmpi eq, %arg0, %eq3A_55 : i32
    %convert_element_type3A_57 = arith.extui %eq3A_56 : i1 to i32
    %cond3A = arith.constant 0 : i32
    %cond3A_58 = arith.cmpi ne, %convert_element_type3A_57, %cond3A : i32
    scf.if %cond3A_58 {
      %swap3A_67 = arith.constant 0.000000e+00 : f32
      %swap3A_68 = arith.constant 0 : index
      %swap3A_69 = arith.constant 0 : index
      %swap3A_70 = memref.load %arg7[%swap3A_68, %swap3A_69] : memref<1x1xf32, #tpu.memory_space<smem>>
      memref.store %swap3A_67, %arg7[%swap3A_68, %swap3A_69] : memref<1x1xf32, #tpu.memory_space<smem>>
    } else {
    }
    %get3A_59 = arith.constant 0 : index
    %get3A_60 = arith.constant 0 : index
    %get3A_61 = memref.load %arg7[%get3A_59, %get3A_60] : memref<1x1xf32, #tpu.memory_space<smem>>
    %neg3A_62 = arith.constant 0.000000e+00 : f32
    %neg3A_63 = arith.subf %neg3A_62, %reduce_sum3A_54 : f32
    %add3A_64 = arith.addf %get3A_61, %neg3A_63 : f32
    %swap3A = arith.constant 0 : index
    %swap3A_65 = arith.constant 0 : index
    %swap3A_66 = memref.load %arg7[%swap3A, %swap3A_65] : memref<1x1xf32, #tpu.memory_space<smem>>
    memref.store %add3A_64, %arg7[%swap3A, %swap3A_65] : memref<1x1xf32, #tpu.memory_space<smem>>
    return
  }
  func.func @transform_0(%arg0: i32) -> (i32, i32) {
    %c0_i32 = arith.constant 0 : i32
    %c0_i32_0 = arith.constant 0 : i32
    return %arg0, %c0_i32 : i32, i32
  }
  func.func @transform_1(%arg0: i32) -> (i32, i32) {
    %c0_i32 = arith.constant 0 : i32
    %c0_i32_0 = arith.constant 0 : i32
    return %arg0, %c0_i32 : i32, i32
  }
  func.func @transform_2(%arg0: i32) -> (i32, i32) {
    %c0_i32 = arith.constant 0 : i32
    %c0_i32_0 = arith.constant 0 : i32
    return %arg0, %c0_i32 : i32, i32
  }
  func.func @transform_3(%arg0: i32) -> (i32, i32) {
    %c0_i32 = arith.constant 0 : i32
    %c0_i32_0 = arith.constant 0 : i32
    %c0_i32_1 = arith.constant 0 : i32
    return %c0_i32, %c0_i32_0 : i32, i32
  }
  func.func @transform_4(%arg0: i32) -> (i32, i32) {
    %c0_i32 = arith.constant 0 : i32
    %c0_i32_0 = arith.constant 0 : i32
    %c0_i32_1 = arith.constant 0 : i32
    return %c0_i32, %c0_i32_0 : i32, i32
  }
  func.func @transform_5(%arg0: i32) -> (i32, i32) {
    %c0_i32 = arith.constant 0 : i32
    %c0_i32_0 = arith.constant 0 : i32
    %c0_i32_1 = arith.constant 0 : i32
    return %c0_i32, %c0_i32_0 : i32, i32
  }
  func.func @transform_6(%arg0: i32) -> (i32, i32) {
    %c0_i32 = arith.constant 0 : i32
    %c0_i32_0 = arith.constant 0 : i32
    %c0_i32_1 = arith.constant 0 : i32
    return %c0_i32, %c0_i32_0 : i32, i32
  }
}

</mosaic_0001>

<sc_bundles>
// kernel: kernel.4.cloned.1.call-start
scs
__scs_entry_jumppad:
0x0: {  	(pc) =	sbr.rel $0x88, $3  }
0x1: {  	(tag) =	ssettag $0x0;
	lr =	simm.s32 $0x1  }
0x2: {  	[smem:$0x3F9A] =	sst lr;
	_ =	strace $0xD0000000  }
0x3: {  	_ = 	snop  }
0x4: {  	_ = 	snop  }
0x5: {  	_ = 	snop  }
0x6: {  	_ = 	snop  }
0x7: {  	_ = 	snop  }
__scs_overlays_trampoline_lowered:
0x8: {  	[smem:$0x3FA9] =	sst s0  }
0x9: {  	[smem:$0x3FAA] =	sst s1  }
0xa: {  	[smem:$0x3FAB] =	sst s2  }
0xb: {  	[smem:$0x3FAC] =	sst s3  }
0xc: {  	[smem:$0x3FAD] =	sst s4  }
0xd: {  	[smem:$0x3FAE] =	sst s5  }
0xe: {  	[smem:$0x3FAF] =	sst s6  }
0xf: {  	[smem:$0x3FB0] =	sst s7  }
0x10: {  	[smem:$0x3FB1] =	sst s8  }
0x11: {  	[smem:$0x3FB2] =	sst s9;
	s0 =	simm.s32 @!p0 $0x0  }
0x12: {  	s1 =	sld [smem:$0x3F98];
	s0 =	simm.s32 @p0 $0x1  }
0x13: {  	[smem:$0x3FB3] =	sst s0;
	s0 =	simm.s32 @!p1 $0x0  }
0x14: {  	s2 =	sld [smem:$0x3F97];
	s0 =	simm.s32 @p1 $0x1  }
0x15: {  	[smem:$0x3FB4] =	sst s0;
	s0 =	simm.s32 @!p2 $0x0  }
0x16: {  	s3 =	sld [smem:$0x3FDB];
	s0 =	simm.s32 @p2 $0x1  }
0x17: {  	s4 =	simm.s32 $0x1BF5;
	[smem:$0x3FB6] =	sst s0  }
0x18: {  	s0 =	sld [smem:$0x3F99];
	_ =	swait.ge [sflag:s4], $0x0  }
0x19: {  	s7 =	sld [smem:$0x3F9A]  }
0x1a: {  	s8 =	sadd.s32 $0xFFFFE003, lr  }
0x1b: {  	s9 =	sadd.s32 $0xFFFFFEF7, lr;
	s5 =	simm.s32 $0xFFFFFFFF;
	p2 =	slt.u32 s8, $0xFFFFF086  }
0x1c: {  	p1 =	slt.u32 s9, $0xF7A;
	s5 =	simm.s32 @!p2 $0x0  }
0x1d: {  	s5 =	simm.s32 @p1 $0x1;
	p0 =	seq.s32 s7, s2  }
0x1e: {  	s7 =	smul.u32 @!p0 $0xF7A, s2;
	p2 =	seq.s32 @!p0 s5, $0x0  }
0x1f: {  	s9 =	smul.u32 $0xF7A, s1;
	s8 =	simm.s32 @!p0 $0x1BF5;
	p2 =	por !p2, p0  }
0x20: {  	[sflag:s8] =	ssyncset.s32 @!p0 $0xFFFFF086;
	s6 =	sadd.s32 @!p0 s3, s7;
	s7 =	simm.s32 @!p0 $0x108  }
0x21: {  	s3 =	sadd.s32 s3, s9;
	s6 =	sadd.s32 @!p0 $0x88, s6;
	s7 =	simm.s32 @p2 $0x1082  }
0x22: {  	[simem:s7], [sflag:s8] =	dma.local @!p0 [hbm:s6], $0xF7A  }
0x23: {  	s9 =	sor.u32 $0xD0000000, s2;
	s6 =	simm.s32 $0x108;
	_ =	swait.ge @!p0 [sflag:s8], $0x0  }
0x24: {  	s3 =	sadd.s32 $0x88, s3;
	s6 =	simm.s32 @!p1 $0x1082;
	[sflag:s4] =	ssyncset.s32 $0xFFFFF086  }
0x25: {  	[simem:s6], [sflag:s4] =	dma.local [hbm:s3], $0xF7A  }
0x26: {  	[smem:$0x3F9A] =	sst s1;
	(tag) =	ssettag s2;
	_ =	strace s9  }
0x27: {  	s1 =	sld [smem:$0x3FAA]  }
0x28: {  	s2 =	sld [smem:$0x3FAB]  }
0x29: {  	s4 =	sld [smem:$0x3FAD]  }
0x2a: {  	p0 =	seq.s32 s5, $0x0;
	s5 =	sld [smem:$0x3FAE]  }
0x2b: {  	s6 =	sld [smem:$0x3FAF]  }
0x2c: {  	s7 =	sld [smem:$0x3FB0]  }
0x2d: {  	s3 =	simm.s32 $0x108;
	s8 =	sld [smem:$0x3FB1]  }
0x2e: {  	s3 =	simm.s32 @!p0 $0x1082;
	s9 =	sld [smem:$0x3FB2]  }
0x2f: {  	lr =	sadd.s32 s0, s3;
	s0 =	sld [smem:$0x3FA9]  }
0x30: {  	s3 =	sld [smem:$0x3FAC]  }
0x31: {  	[smem:$0x3FB5] =	sst s10  }
0x32: {  	s10 =	sld [smem:$0x3FB3];
	_ =	sdelay $0x3  }
0x33: {  	p0 =	seq.s32 s10, $0x1;
	s10 =	sld [smem:$0x3FB5];
	_ =	sdelay $0x3  }
0x34: {  	[smem:$0x3FB5] =	sst s10  }
0x35: {  	s10 =	sld [smem:$0x3FB4];
	_ =	sdelay $0x3  }
0x36: {  	p1 =	seq.s32 s10, $0x1;
	s10 =	sld [smem:$0x3FB5];
	_ =	sdelay $0x3  }
0x37: {  	[smem:$0x3FB5] =	sst s10  }
0x38: {  	s10 =	sld [smem:$0x3FB6]  }
0x39: {  	_ = 	snop;
	(pc) =	sbr.ind lr, $3  }
0x3a: {  	_ = 	snop  }
0x3b: {  	_ = 	snop  }
0x3c: {  	p2 =	seq.s32 s10, $0x1;
	s10 =	sld [smem:$0x3FB5]  }
0x3d: {  	_ =	shalt  }
0x3e: {  	_ =	shalt  }
0x3f: {  	_ =	shalt  }
0x40: {  	_ =	shalt  }
0x41: {  	_ =	shalt  }
0x42: {  	_ =	shalt  }
0x43: {  	_ =	shalt  }
0x44: {  	_ =	shalt  }
0x45: {  	_ =	shalt  }
0x46: {  	_ =	shalt  }
0x47: {  	_ =	shalt  }
0x48: {  	_ =	shalt  }
0x49: {  	_ =	shalt  }
0x4a: {  	_ =	shalt  }
0x4b: {  	_ =	shalt  }
0x4c: {  	_ =	shalt  }
0x4d: {  	_ =	shalt  }
0x4e: {  	_ =	shalt  }
0x4f: {  	_ =	shalt  }
0x50: {  	_ =	shalt  }
0x51: {  	_ =	shalt  }
0x52: {  	_ =	shalt  }
0x53: {  	_ =	shalt  }
0x54: {  	_ =	shalt  }
0x55: {  	_ =	shalt  }
0x56: {  	_ =	shalt  }
0x57: {  	_ =	shalt  }
0x58: {  	_ =	shalt  }
0x59: {  	_ =	shalt  }
0x5a: {  	_ =	shalt  }
0x5b: {  	_ =	shalt  }
0x5c: {  	_ =	shalt  }
0x5d: {  	_ =	shalt  }
0x5e: {  	_ =	shalt  }
0x5f: {  	_ =	shalt  }
0x60: {  	_ =	shalt  }
0x61: {  	_ =	shalt  }
0x62: {  	_ =	shalt  }
0x63: {  	_ =	shalt  }
0x64: {  	_ =	shalt  }
0x65: {  	_ =	shalt  }
0x66: {  	_ =	shalt  }
0x67: {  	_ =	shalt  }
0x68: {  	_ =	shalt  }
0x69: {  	_ =	shalt  }
0x6a: {  	_ =	shalt  }
0x6b: {  	_ =	shalt  }
0x6c: {  	_ =	shalt  }
0x6d: {  	_ =	shalt  }
0x6e: {  	_ =	shalt  }
0x6f: {  	_ =	shalt  }
0x70: {  	_ =	shalt  }
0x71: {  	_ =	shalt  }
0x72: {  	_ =	shalt  }
0x73: {  	_ =	shalt  }
0x74: {  	_ =	shalt  }
0x75: {  	_ =	shalt  }
0x76: {  	_ =	shalt  }
0x77: {  	_ =	shalt  }
0x78: {  	_ =	shalt  }
0x79: {  	_ =	shalt  }
0x7a: {  	_ =	shalt  }
0x7b: {  	_ =	shalt  }
0x7c: {  	_ =	shalt  }
0x7d: {  	_ =	shalt  }
0x7e: {  	_ =	shalt  }
0x7f: {  	_ =	shalt  }
0x80: {  	_ =	shalt  }
0x81: {  	_ =	shalt  }
0x82: {  	_ =	shalt  }
0x83: {  	_ =	shalt  }
0x84: {  	_ =	shalt  }
0x85: {  	_ =	shalt  }
0x86: {  	_ =	shalt  }
0x87: {  	_ =	shalt  }
.Lfunc_end0:
.L_simem_size_0:
called_computation_lowered:
.L_overlay_start_0:
0x88: {  	s2 =	sld [smem:$0x3FD9]  }
0x89: {  	s3 =	sld [smem:$0x3FFE];
	_ =	sdelay $0x1  }
0x8a: {  	s1 =	srdreg.scid  }
0x8b: {  	s0 =	sand.u32 $0x1, s1  }
0x8c: {  	s16 =	sshll.u32 s0, $0xA;
	s2 =	sadd.s32 s3, s2  }
0x8d: {  	s2 =	sadd.s32 s2, s16  }
0x8e: {  	[smem:$0x3FC1] =	sst s2  }
0x8f: {  	_ = 	snop  }
0x90: {  	(tm) =	ssettm $0x1  }
0x91: {  	s17 =	sld [smem:$0x3FFB];
	_ =	sdelay $0x3  }
0x92: {  	_ =	strace s17  }
0x93: {  	s2 =	sld [smem:$0x3FFC];
	_ =	sdelay $0x3  }
0x94: {  	_ =	strace s2  }
0x95: {  	s2 =	sld [smem:$0x3FFD];
	_ =	sdelay $0x3  }
0x96: {  	_ =	strace s2  }
0x97: {  	_ =	strace $0x8FFFFFFF  }
0x98: {  	s18 =	sld [smem:$0x3FDB];
	_ =	sdelay $0x1  }
0x99: {  	s19 =	simm.s32 $_scs_section_size  }
0x9a: {  	s4 =	simm.s32 $_size__tile_overlayer_lowered;
	s5 =	simm.s32 $_tile_overlayer_lowered  }
0x9b: {  	s22 =	simm.s32 $0x1BFF;
	s21 =	sshll.u32 s5, $0x1;
	s2 =	sadd.s32 s19, s18  }
0x9c: {  	s6 =	simm.s32 $0x0;
	s20 =	sshll.u32 s4, $0x1;
	s4 =	sadd.s32 s21, s2  }
0x9d: {  	[timem:s6], [sflag:s22] =	dma.local [hbm:s4], s20  }
0x9e: {  	_ =	swait.ge [sflag:s22], s20  }
0x9f: {  	s3 =	ssub.s32 $0x0, s20;
	[sflag:s22] =	ssyncset.done $0x0  }
0xa0: {  	[sflag:s22] =	ssyncadd.s32 s3;
	_ =	sdelay $0x1  }
0xa1: {  	s23 =	simm.s32 $0x1B8B  }
0xa2: {  	_ =	swait.ge [sflag:s23], $0x1  }
0xa3: {  	[sflag:s23] =	ssyncset.done $0x0  }
0xa4: {  	s25 =	simm.s32 $0x1B8E;
	s24 =	sld [smem:$0x3FFE];
	[sflag:s23] =	ssyncadd.s32 $0xFFFFFFFF  }
0xa5: {  	s26 =	simm.s32 $execute0_lowered;
	[smem:$0x3FD2] =	sst s25  }
0xa6: {  	s4 =	sshll.u32 s26, $0x1;
	_ =	strace $0x80000046;
	[dreg:$0x1] =	wrdreg $0xFFFFFFFF  }
0xa7: {  	s28 =	simm.s32 $_size_execute0_lowered;
	s2 =	sadd.s32 s2, s4;
	[dreg:$0x0] =	wrdreg $0x0  }
0xa8: {  	s4 =	sshll.u32 s28, $0x1;
	[dreg:$0x2] =	wrdreg s2  }
0xa9: {  	[dreg:$0x3] =	wrdreg s4  }
0xaa: {  	[dreg:$0x4] =	wrdreg $0xC0  }
0xab: {  	_ =	task [dreg:s6], $0x5FFFF  }
0xac: {  	[dreg:$0x1] =	wrdreg $0xFFFFFFFF  }
0xad: {  	[dreg:$0x0] =	wrdreg $0x60  }
0xae: {  	[dreg:$0x2] =	wrdreg s24  }
0xaf: {  	[dreg:$0x3] =	wrdreg $0x9  }
0xb0: {  	_ =	task.clear_ibuf [dreg:s6], $0x4FFFF;
	_ =	strace $0x90000046  }
0xb1: {  	s29 =	simm.s32 $0x9;
	_ =	strace $0x80000048  }
0xb2: {  	_ =	swait.ge [sflag:s29], $0x1  }
0xb3: {  	[sflag:s29] =	ssyncadd.s32 $0xFFFFFFFF  }
0xb4: {  	_ =	strace $0x90000048  }
0xb5: {  	_ =	sfence  }
0xb6: {  	s30 =	sld [smem:$0x0];
	_ =	sdelay $0x2  }
0xb7: {  	s31 =	sshll.u32 s1, $0xD;
	s1 =	sshrl.u32 s1, $0x2  }
0xb8: {  	s3 =	sand.u32 $0x4000, s31;
	s1 =	sadd.s32 s1, s30  }
0xb9: {  	s0 =	sor.u32 s3, s0;
	s1 =	sshll.u32 s1, $0x11  }
0xba: {  	s0 =	sor.u32 s1, s0  }
0xbb: {  	s0 =	sadd.s32 $0x8F2B, s0  }
0xbc: {  	[sflag:s0] =	ssyncadd.remote.s32 $0x1  }
0xbd: {  	_ =	sfence.sel $0xFFFF  }
0xbe: {  	[dreg:$0x0] =	wrdreg $0xFFFFFFFF;
	(pc) =	sbr.abs _section_cstart, $3  }
0xbf: {  	[dreg:$0x1] =	wrdreg $0xFFFFFFFF  }
0xc0: {  	_ =	task.clear_ibuf [dreg:s6], $0x2FFFF;
	_ =	strace $0x9FFFFFFF  }
0xc1: {  	(tm) =	ssettm $0x7FFFFFFF  }
tec
execute0_lowered:
.L_overlay_start_1:
0x0: {  	(tag) =	ssettag $0x1  }
0x1: {  	s1 =	srdreg.scid;
	s0 =	stileid.u32  }
0x2: {  	s4 =	rddreg [dreg:$0x0];
	s2 =	simm.s32 $0x0;
	s14 =	simm.s32 $0x5  }
0x3: {  	s15 =	simm.s32 $0x80;
	s16 =	simm.s32 $0x1800;
	s17 =	simm.s32 $0x3800  }
0x4: {  	s18 =	simm.s32 $0x100;
	s19 =	simm.s32 $0x5800;
	s20 =	simm.s32 $0x180  }
0x5: {  	s21 =	simm.s32 $0x7800;
	s22 =	simm.s32 $0x1;
	s11 =	smul.u32 $0xC0000, s0  }
0x6: {  	s23 =	simm.s32 $0x2;
	s6 =	sand.u32 $0x1, s1;
	s29 =	smul.u32 $0x3000, s0  }
0x7: {  	s24 =	simm.s32 $0x3;
	s3 =	sshll.u32 s0, $0x1;
	s13 =	smul.u32 $0x1800, s6  }
0x8: {  	s25 =	simm.s32 $0x4;
	s3 =	sor.u32 s6, s3;
	s30 =	smul.u32 $0x60000, s6  }
0x9: {  	s26 =	simm.s32 $0x0;
	[smem:$0x7FF] =	sst s2;
	s5 =	smul.u32 $0x300, s3  }
0xa: {  	s12 =	sadd.s32 $0x6800, s4;
	s8 =	ssub.s32 $0x2, s6;
	s7 =	smul.u32 $0x60000, s3  }
0xb: {  	_ =	strace $0x80000047;
	s9 =	smul.u32 $0xC000, s3;
	s10 =	sshrl.u32 s8, $0x1  }
0xc: {  	s3 =	sadd.s32 $0xF42C00, s4;
	s8 =	ssub.s32 s8, s10;
	s10 =	sadd.s32 s13, s29  }
0xd: {  	s11 =	sadd.s32 s30, s11;
	s5 =	sadd.s32 s5, s4;
	s7 =	sshrl.u32 s7, $0x3  }
0xe: {  	s9 =	sadd.s32 s12, s9;
	s10 =	sshll.u32 s10, $0x3;
	s11 =	sshrl.u32 s11, $0x3  }
0xf: {  	s4 =	sadd.s32 $0x800, s5;
	s5 =	smax.u32 s8, $0x1;
	s7 =	sadd.s32 s12, s7  }
0x10: {  	s8 =	sadd.s32 $0xB800, s9;
	s31 =	sadd.s32 s10, s12;
	s10 =	sadd.s32 s11, s12  }
0x11: {  	s6 =	sadd.s32 $0xB000, s7;
	s7 =	sadd.s32 $0xB400, s9;
	s9 =	sadd.s32 $0xBC00, s9  }
0x12: {  	s11 =	sadd.s32 $0xC00, s31;
	s12 =	sadd.s32 $0x800, s31;
	s13 =	sadd.s32 $0x400, s31  }
.LBB2_1:
0x13: {  	[tilespmem:s2], [sflag:$0x5] =	stream.linear.gather [hbm4b:s4+s2], $0x1800, $0x38;
	[tilespmem:$0x9800] =	vst v63  }
0x14: {  	_ =	swait.ge [sflag:s14], $0x1800  }
0x15: {  	[sflag:s14] =	ssyncset.done $0x0  }
0x16: {  	[sflag:s14] =	ssyncadd.s32 $0xFFFFE800  }
0x17: {  	[tilespmem:s16], [sflag:$0x1] =	stream.indirect.gather [hbm4b:s3+s15], $0x40, s2, s15, $0xb8;
	[tilespmem:$0x9800] =	vst v63  }
0x18: {  	_ = 	snop  }
0x19: {  	[tilespmem:s17], [sflag:$0x2] =	stream.indirect.gather [hbm4b:s3+s15], $0x40, s15, s15, $0xb8;
	[tilespmem:$0x9800] =	vst v63  }
0x1a: {  	_ = 	snop  }
0x1b: {  	[tilespmem:s19], [sflag:$0x3] =	stream.indirect.gather [hbm4b:s3+s15], $0x40, s18, s15, $0xb8;
	[tilespmem:$0x9800] =	vst v63  }
0x1c: {  	_ = 	snop  }
0x1d: {  	[tilespmem:s21], [sflag:$0x4] =	stream.indirect.gather [hbm4b:s3+s15], $0x40, s20, s15, $0xb8;
	[tilespmem:$0x9800] =	vst v63  }
0x1e: {  	_ =	swait.ge [sflag:s22], $0x2000  }
0x1f: {  	[sflag:s22] =	ssyncset.done $0x0  }
0x20: {  	s28 =	sadd.s32 $0x0, s10;
	[sflag:s22] =	ssyncadd.s32 $0xFFFFE000  }
0x21: {  	[hbm4b:s28+s2] =	stream.linear.scatter [tilespmem:s16], [sflag:$0x5], $0x2000, $0x38;
	[tilespmem:$0x9800] =	vst v63  }
0x22: {  	_ =	swait.ge [sflag:s14], $0x2000  }
0x23: {  	[sflag:s14] =	ssyncset.done $0x0  }
0x24: {  	s28 =	simm.s32 $0x200;
	[sflag:s14] =	ssyncadd.s32 $0xFFFFE000  }
0x25: {  	[tilespmem:s16], [sflag:$0x1] =	stream.indirect.gather [hbm4b:s3+s15], $0x40, s28, s15, $0xb8;
	[tilespmem:$0x9800] =	vst v63  }
0x26: {  	_ =	swait.ge [sflag:s23], $0x2000  }
0x27: {  	[sflag:s23] =	ssyncset.done $0x0  }
0x28: {  	s28 =	sadd.s32 $0x0, s13;
	[sflag:s23] =	ssyncadd.s32 $0xFFFFE000  }
0x29: {  	[hbm4b:s28+s2] =	stream.linear.scatter [tilespmem:s17], [sflag:$0x5], $0x2000, $0x38;
	[tilespmem:$0x9800] =	vst v63  }
0x2a: {  	_ =	swait.ge [sflag:s14], $0x2000  }
0x2b: {  	[sflag:s14] =	ssyncset.done $0x0  }
0x2c: {  	s28 =	simm.s32 $0x280;
	[sflag:s14] =	ssyncadd.s32 $0xFFFFE000  }
0x2d: {  	[tilespmem:s17], [sflag:$0x2] =	stream.indirect.gather [hbm4b:s3+s15], $0x40, s28, s15, $0xb8;
	[tilespmem:$0x9800] =	vst v63  }
0x2e: {  	_ =	swait.ge [sflag:s24], $0x2000  }
0x2f: {  	[sflag:s24] =	ssyncset.done $0x0  }
0x30: {  	s28 =	sadd.s32 $0x0, s12;
	[sflag:s24] =	ssyncadd.s32 $0xFFFFE000  }
0x31: {  	[hbm4b:s28+s2] =	stream.linear.scatter [tilespmem:s19], [sflag:$0x5], $0x2000, $0x38;
	[tilespmem:$0x9800] =	vst v63  }
0x32: {  	_ =	swait.ge [sflag:s14], $0x2000  }
0x33: {  	[sflag:s14] =	ssyncset.done $0x0  }
0x34: {  	s28 =	simm.s32 $0x300;
	[sflag:s14] =	ssyncadd.s32 $0xFFFFE000  }
0x35: {  	[tilespmem:s19], [sflag:$0x3] =	stream.indirect.gather [hbm4b:s3+s15], $0x40, s28, s15, $0xb8;
	[tilespmem:$0x9800] =	vst v63  }
0x36: {  	_ =	swait.ge [sflag:s25], $0x2000  }
0x37: {  	[sflag:s25] =	ssyncset.done $0x0  }
0x38: {  	s28 =	sadd.s32 $0x0, s11;
	[sflag:s25] =	ssyncadd.s32 $0xFFFFE000  }
0x39: {  	[hbm4b:s28+s2] =	stream.linear.scatter [tilespmem:s21], [sflag:$0x5], $0x2000, $0x38;
	[tilespmem:$0x9800] =	vst v63  }
0x3a: {  	_ =	swait.ge [sflag:s14], $0x2000  }
0x3b: {  	s29 =	simm.s32 $0x1000;
	[sflag:s14] =	ssyncset.done $0x0  }
0x3c: {  	s30 =	simm.s32 $0x580;
	s28 =	simm.s32 $0x380;
	[sflag:s14] =	ssyncadd.s32 $0xFFFFE000  }
.LBB2_2:
0x3d: {  	[tilespmem:s21], [sflag:$0x4] =	stream.indirect.gather [hbm4b:s3+s15], $0x40, s28, s15, $0xb8;
	[tilespmem:$0x9800] =	vst v63  }
0x3e: {  	s31 =	smov.u32 s29;
	s28 =	smov.u32 s30  }
0x3f: {  	p0 =	sne.s32 s29, $0xA000;
	s29 =	sadd.s32 $0x1000, s29;
	_ =	swait.ge [sflag:s22], $0x2000  }
0x40: {  	[sflag:s22] =	ssyncset.done $0x0  }
0x41: {  	s1 =	sadd.s32 s31, s10;
	[sflag:s22] =	ssyncadd.s32 $0xFFFFE000  }
0x42: {  	[hbm4b:s1+s2] =	stream.linear.scatter [tilespmem:s16], [sflag:$0x5], $0x2000, $0x38;
	[tilespmem:$0x9800] =	vst v63  }
0x43: {  	_ =	swait.ge [sflag:s14], $0x2000  }
0x44: {  	[sflag:s14] =	ssyncset.done $0x0  }
0x45: {  	s1 =	sadd.s32 $0xFFFFFE80, s30;
	[sflag:s14] =	ssyncadd.s32 $0xFFFFE000  }
0x46: {  	[tilespmem:s16], [sflag:$0x1] =	stream.indirect.gather [hbm4b:s3+s15], $0x40, s1, s15, $0xb8;
	[tilespmem:$0x9800] =	vst v63  }
0x47: {  	_ =	swait.ge [sflag:s23], $0x2000  }
0x48: {  	[sflag:s23] =	ssyncset.done $0x0  }
0x49: {  	s1 =	sadd.s32 s31, s13;
	[sflag:s23] =	ssyncadd.s32 $0xFFFFE000  }
0x4a: {  	[hbm4b:s1+s2] =	stream.linear.scatter [tilespmem:s17], [sflag:$0x5], $0x2000, $0x38;
	[tilespmem:$0x9800] =	vst v63  }
0x4b: {  	_ =	swait.ge [sflag:s14], $0x2000  }
0x4c: {  	[sflag:s14] =	ssyncset.done $0x0  }
0x4d: {  	s1 =	sadd.s32 $0xFFFFFF00, s30;
	[sflag:s14] =	ssyncadd.s32 $0xFFFFE000  }
0x4e: {  	[tilespmem:s17], [sflag:$0x2] =	stream.indirect.gather [hbm4b:s3+s15], $0x40, s1, s15, $0xb8;
	[tilespmem:$0x9800] =	vst v63  }
0x4f: {  	_ =	swait.ge [sflag:s24], $0x2000  }
0x50: {  	[sflag:s24] =	ssyncset.done $0x0  }
0x51: {  	s1 =	sadd.s32 s31, s12;
	[sflag:s24] =	ssyncadd.s32 $0xFFFFE000  }
0x52: {  	[hbm4b:s1+s2] =	stream.linear.scatter [tilespmem:s19], [sflag:$0x5], $0x2000, $0x38;
	[tilespmem:$0x9800] =	vst v63  }
0x53: {  	_ =	swait.ge [sflag:s14], $0x2000  }
0x54: {  	[sflag:s14] =	ssyncset.done $0x0  }
0x55: {  	s1 =	sadd.s32 $0xFFFFFF80, s30;
	[sflag:s14] =	ssyncadd.s32 $0xFFFFE000  }
0x56: {  	[tilespmem:s19], [sflag:$0x3] =	stream.indirect.gather [hbm4b:s3+s15], $0x40, s1, s15, $0xb8;
	[tilespmem:$0x9800] =	vst v63  }
0x57: {  	_ =	swait.ge [sflag:s25], $0x2000  }
0x58: {  	[sflag:s25] =	ssyncset.done $0x0  }
.Ltmp0:
0x59: {  	s1 =	sadd.s32 s31, s11;
	[sflag:s25] =	ssyncadd.s32 $0xFFFFE000;
	(pc) =	sbr.rel @p0 .LBB2_2-.Ltmp0, $4  }
0x5a: {  	[hbm4b:s1+s2] =	stream.linear.scatter [tilespmem:s21], [sflag:$0x5], $0x2000, $0x38;
	[tilespmem:$0x9800] =	vst v63  }
0x5b: {  	_ =	swait.ge [sflag:s14], $0x2000  }
0x5c: {  	[sflag:s14] =	ssyncset.done $0x0  }
0x5d: {  	s30 =	sadd.s32 $0x200, s30;
	[sflag:s14] =	ssyncadd.s32 $0xFFFFE000  }
0x5e: {  	[tilespmem:s21], [sflag:$0x4] =	stream.indirect.gather [hbm4b:s3+s15], $0x40, s28, s15, $0xb8;
	[tilespmem:$0x9800] =	vst v63  }
0x5f: {  	_ =	swait.ge [sflag:s22], $0x2000  }
0x60: {  	[sflag:s22] =	ssyncset.done $0x0  }
0x61: {  	[sflag:s22] =	ssyncadd.s32 $0xFFFFE000  }
0x62: {  	[hbm4b:s6+s2] =	stream.linear.scatter [tilespmem:s16], [sflag:$0x5], $0x2000, $0x38;
	[tilespmem:$0x9800] =	vst v63  }
0x63: {  	_ =	swait.ge [sflag:s14], $0x2000  }
0x64: {  	[sflag:s14] =	ssyncset.done $0x0  }
0x65: {  	[sflag:s14] =	ssyncadd.s32 $0xFFFFE000  }
0x66: {  	_ =	swait.ge [sflag:s23], $0x2000  }
0x67: {  	[sflag:s23] =	ssyncset.done $0x0  }
0x68: {  	[sflag:s23] =	ssyncadd.s32 $0xFFFFE000  }
0x69: {  	[hbm4b:s7+s2] =	stream.linear.scatter [tilespmem:s17], [sflag:$0x5], $0x2000, $0x38;
	[tilespmem:$0x9800] =	vst v63  }
0x6a: {  	_ =	swait.ge [sflag:s14], $0x2000  }
0x6b: {  	[sflag:s14] =	ssyncset.done $0x0  }
0x6c: {  	[sflag:s14] =	ssyncadd.s32 $0xFFFFE000  }
0x6d: {  	_ =	swait.ge [sflag:s24], $0x2000  }
0x6e: {  	[sflag:s24] =	ssyncset.done $0x0  }
0x6f: {  	[sflag:s24] =	ssyncadd.s32 $0xFFFFE000  }
0x70: {  	[hbm4b:s8+s2] =	stream.linear.scatter [tilespmem:s19], [sflag:$0x5], $0x2000, $0x38;
	[tilespmem:$0x9800] =	vst v63  }
0x71: {  	_ =	swait.ge [sflag:s14], $0x2000  }
0x72: {  	[sflag:s14] =	ssyncset.done $0x0  }
0x73: {  	[sflag:s14] =	ssyncadd.s32 $0xFFFFE000  }
0x74: {  	s26 =	sadd.s32 $0x1, s26;
	_ =	swait.ge [sflag:s25], $0x2000  }
0x75: {  	p0 =	sne.s32 s26, s5;
	[sflag:s25] =	ssyncset.done $0x0  }
.Ltmp1:
0x76: {  	[sflag:s25] =	ssyncadd.s32 $0xFFFFE000;
	(pc) =	sbr.rel @p0 .LBB2_1-.Ltmp1, $4  }
0x77: {  	[hbm4b:s9+s2] =	stream.linear.scatter [tilespmem:s21], [sflag:$0x5], $0x2000, $0x38;
	[tilespmem:$0x9800] =	vst v63  }
0x78: {  	_ =	swait.ge [sflag:s14], $0x2000  }
0x79: {  	[sflag:s14] =	ssyncset.done $0x0  }
0x7a: {  	[sflag:s14] =	ssyncadd.s32 $0xFFFFE000  }
0x7b: {  	_ =	sfence.sel $0x180000  }
0x7c: {  	[bflag:$0x0] =	sbarrier.arrive $0xFFFF  }
0x7d: {  	_ =	strace $0x90000047  }
0x7e: {  	[bflag:$0x2] =	sbarrier.arrive $0xFFFF  }
0x7f: {  	p0 =	sne.s32 s0, $0x0;
	s0 =	rddreg [dreg:$0x1]  }
0x80: {  	s0 =	sadd.s32 @!p0 $0x100000, s0  }
0x81: {  	[sflag:s0] =	ssyncadd.tile.s32 @!p0 $0x1;
	_ =	shalt  }
.Lfunc_end2:
_tile_overlayer_lowered:
.L_overlay_start_2:
0x82: {  	(tag) =	ssettag $0x2  }
0x83: {  	s0 =	rddreg [dreg:$0x0];
	s2 =	stileid.u32  }
0x84: {  	s1 =	rddreg [dreg:$0x1];
	p0 =	sne.s32 s2, $0x0  }
0x85: {  	s3 =	rddreg [dreg:$0x2];
	[bflag:$0x3] =	sbarrier.arrive $0xFFFF;
	s2 =	simm.s32 @!p0 $0x1C05  }
0x86: {  	[timem:s3], [sflag:s2] =	dma.local @!p0 [hbm:s0], s1  }
0x87: {  	s0 =	simm.s32 @!p0 $0x5  }
0x88: {  	_ =	swait.ge @!p0 [sflag:s0], s1  }
0x89: {  	s1 =	ssub.s32 @!p0 $0x0, s1;
	[sflag:s0] =	ssyncset.done @!p0 $0x0  }
0x8a: {  	[sflag:s0] =	ssyncadd.s32 @!p0 s1  }
0x8b: {  	[bflag:$0x3] =	sbarrier.arrive $0xFFFF  }
0x8c: {  	_ =	shalt  }

</sc_bundles>
